<compile_context>
chip_gen: v7x
topology: tpu7x:2x2x1
jax: 0.10.2.dev20260603
libtpu: 0.0.44.dev20260713+nightly
codegen_flags: <defaults>
</compile_context>

<pallas_src>
import functools

import jax
import jax.numpy as jnp
from jax import lax
from jax.experimental import pallas as pl
from jax.experimental.pallas import tpu as pltpu
from jax.experimental.pallas import tpu_sc as plsc

_C = 1024
_D = 64
_TILE_A = 256
_CHUNK = 128
_NCHUNK = _C // _CHUNK
_TILE_C = 1024


def _dist_kernel(x_ref, cb_ref, idx_ref, csq_ref):
    @pl.when(pl.program_id(0) == 0)
    def _():
        cb = cb_ref[...]
        csq_ref[...] = lax.dot_general(
            cb * cb, jnp.ones((1, _D), jnp.float32),
            (((1,), (1,)), ((), ())), preferred_element_type=jnp.float32)

    x = x_ref[...]
    rowf0 = lax.broadcasted_iota(
        jnp.int32, (_CHUNK, _TILE_A), 0).astype(jnp.float32)
    cands = []
    for c in range(_NCHUNK):
        cbc = cb_ref[pl.ds(c * _CHUNK, _CHUNK), :]
        m = lax.dot_general(cbc, x, (((1,), (1,)), ((), ())),
                            preferred_element_type=jnp.float32)
        d = csq_ref[pl.ds(c * _CHUNK, _CHUNK), :] - 2.0 * m
        dmin = jnp.min(d, axis=0, keepdims=True)
        row = rowf0 + float(c * _CHUNK)
        imin = jnp.min(jnp.where(d == dmin, row, jnp.float32(2.0**30)),
                       axis=0, keepdims=True)
        cands.append((dmin, imin))
    while len(cands) > 1:
        nxt = []
        for a in range(0, len(cands) - 1, 2):
            (da, ia), (db, ib) = cands[a], cands[a + 1]
            upd = db < da
            nxt.append((jnp.where(upd, db, da), jnp.where(upd, ib, ia)))
        if len(cands) % 2:
            nxt.append(cands[-1])
        cands = nxt
    idx_ref[...] = cands[0][1].reshape(_TILE_A).astype(jnp.int32)


_DPAD = 128
_L = 16


def _make_sc_gather(n_tokens):
    info = plsc.get_sparse_core_info()
    nc, ns = info.num_cores, info.num_subcores
    nw = nc * ns
    b_per_w = n_tokens // nw
    mesh = plsc.VectorSubcoreMesh(core_axis_name="c", subcore_axis_name="s")

    @functools.partial(
        pl.kernel, mesh=mesh,
        out_type=jax.ShapeDtypeStruct((n_tokens, _DPAD), jnp.float32),
        scratch_types=[
            pltpu.VMEM((b_per_w,), jnp.int32),
            pltpu.VMEM((b_per_w, _DPAD), jnp.float32),
            pltpu.SemaphoreType.DMA,
        ],
    )
    def gather(table_hbm, idx_hbm, out_hbm, idx_v, rows_v, sem):
        wid = lax.axis_index("s") * nc + lax.axis_index("c")
        base = wid * b_per_w
        pltpu.sync_copy(idx_hbm.at[pl.ds(base, b_per_w)], idx_v)
        pltpu.async_copy(table_hbm.at[idx_v], rows_v, sem).wait()
        pltpu.sync_copy(rows_v, out_hbm.at[pl.ds(base, b_per_w)])

    return gather


def _loss_kernel(x_ref, q_ref, qst_ref, loss_ref):
    x = x_ref[...]
    q = q_ref[:, : x.shape[1]]
    dlt = q - x
    qst_ref[...] = x + dlt
    loss_ref[...] = 1.25 * jnp.square(dlt)


def kernel(inputs, codebook, cluster_counts, train):
    b, t, d = inputs.shape
    flat = inputs.reshape(-1, d)
    n = flat.shape[0]

    idx = pl.pallas_call(
        _dist_kernel,
        grid=(n // _TILE_A,),
        in_specs=[
            pl.BlockSpec((_TILE_A, d), lambda i: (i, 0)),
            pl.BlockSpec((_C, d), lambda i: (0, 0)),
        ],
        out_specs=pl.BlockSpec((_TILE_A,), lambda i: (i,)),
        out_shape=jax.ShapeDtypeStruct((n,), jnp.int32),
        scratch_shapes=[pltpu.VMEM((_C, 1), jnp.float32)],
    )(flat, codebook)

    cb_pad = jnp.concatenate(
        [codebook, jnp.zeros((_C, _DPAD - d), jnp.float32)], axis=1)
    q = _make_sc_gather(n)(cb_pad, idx)

    qst, loss = pl.pallas_call(
        _loss_kernel,
        grid=(n // _TILE_C,),
        in_specs=[
            pl.BlockSpec((_TILE_C, d), lambda i: (i, 0)),
            pl.BlockSpec((_TILE_C, _DPAD), lambda i: (i, 0)),
        ],
        out_specs=[
            pl.BlockSpec((_TILE_C, d), lambda i: (i, 0)),
            pl.BlockSpec((_TILE_C, d), lambda i: (i, 0)),
        ],
        out_shape=[
            jax.ShapeDtypeStruct((n, d), jnp.float32),
            jax.ShapeDtypeStruct((n, d), jnp.float32),
        ],
    )(flat, q)

    quantized = qst.reshape(inputs.shape)
    qloss = loss.reshape(inputs.shape)
    nn_idx = idx.reshape(1, b, t)
    codebook_values = jax.lax.stop_gradient(codebook)[None]
    return (quantized, qloss, nn_idx, codebook_values, cluster_counts)

# --- scband reference (transcript-rebuilt; emitter-appended) ---
"""Pipeline reference for scband-vector-quantizer-47880295416496 (READ-ONLY COPY).

The authoritative reference and input builder live on the scoring server;
editing this copy changes nothing except your own understanding.
"""

import jax, jax.numpy as jnp
import numpy as np

NUM_CENTROIDS = 1024
COMMITMENT_LOSS = 0.25
EMBED_DIM = 64


def setup_inputs(seed: int = 0) -> dict:
    key = jax.random.key(seed)
    k1, k2 = jax.random.split(key)
    inputs = jax.random.normal(k1, (16, 576, EMBED_DIM), dtype=jnp.float32)
    # variance_scaling(0.1, 'fan_avg', 'normal') init for codebook (num_centroids, embed_dim)
    fan_avg = (NUM_CENTROIDS + EMBED_DIM) / 2.0
    std = (0.1 / fan_avg) ** 0.5
    codebook = std * jax.random.normal(k2, (NUM_CENTROIDS, EMBED_DIM), dtype=jnp.float32)
    cluster_counts = jnp.ones((NUM_CENTROIDS,), dtype=jnp.float32)
    return {"inputs": inputs, "codebook": codebook, "cluster_counts": cluster_counts, "train": False}


def reference(inputs, codebook, cluster_counts, train):
    embedding_dim = inputs.shape[-1]
    flat_inputs = jnp.reshape(inputs, (-1, embedding_dim))
    # squared L2 distances to all centroids
    distances = (
        jnp.sum(jnp.square(flat_inputs), 1, keepdims=True)
        - 2 * jnp.matmul(flat_inputs, codebook.T)
        + jnp.sum(jnp.square(codebook.T), 0, keepdims=True)
    )
    nn_idx = jnp.argmin(distances, axis=1)
    encodings = jax.nn.one_hot(nn_idx, NUM_CENTROIDS)
    # train=False: cluster counts are returned unchanged (no EMA update)
    counts = cluster_counts
    quantized = jnp.matmul(encodings, codebook)
    quantization_loss = jnp.square(quantized - jax.lax.stop_gradient(flat_inputs))
    quantization_loss = quantization_loss + COMMITMENT_LOSS * jnp.square(
        jax.lax.stop_gradient(quantized) - flat_inputs
    )
    quantization_loss = jnp.reshape(quantization_loss, inputs.shape)
    quantized = jnp.reshape(quantized, inputs.shape)
    nn_idx = jnp.reshape(nn_idx, inputs.shape[:-1])
    # straight-through estimator
    quantized = inputs + jax.lax.stop_gradient(quantized - inputs)
    nn_idx = jnp.expand_dims(nn_idx, 0)
    codebook_values = jnp.expand_dims(codebook, 0)
    codebook_values = jax.lax.stop_gradient(codebook_values)
    return (quantized, quantization_loss, nn_idx, codebook_values, counts)

if __name__ == "__main__":
    import jax
    _d = setup_inputs()
    print(jax.jit(kernel)(*tuple(_d.values())))

</pallas_src>

<mosaic_0001>
#map = affine_map<(d0, d1) -> (0, 0)>
#map1 = affine_map<(d0, d1) -> (0)>
module attributes {stable_mosaic.version = 14 : i64} {
  func.func @gather(%arg0: i32, %arg1: i32, %arg2: memref<1024x128xf32, #tpu.memory_space<hbm>>, %arg3: memref<9216xi32, #tpu.memory_space<hbm>>, %arg4: memref<9216x128xf32, #tpu.memory_space<hbm>>, %arg5: memref<288xi32, #tpu.memory_space<vmem>>, %arg6: memref<288x128xf32, #tpu.memory_space<vmem>>, %arg7: memref<!tpu.dma_semaphore, #tpu.memory_space<semaphore_mem>>) attributes {dimension_semantics = [#tpu.dimension_semantics<core_parallel>, #tpu.dimension_semantics<subcore_parallel>], iteration_bounds = array<i64: 2, 16>, scalar_prefetch = 0 : i64, scratch_operands = 3 : i64, tpu.core_type = #tpu.core_type<sc_vector_subcore>, window_params = [{transform_indices = #map}, {transform_indices = #map1}, {transform_indices = #map}]} {
    %mul3A = arith.constant 2 : i32
    %mul3A_0 = arith.muli %arg1, %mul3A : i32
    %add3A = arith.addi %mul3A_0, %arg0 : i32
    %mul3A_1 = arith.constant 288 : i32
    %mul3A_2 = arith.muli %add3A, %mul3A_1 : i32
    "tpu.region"() ({
      %run_scoped3A = tpu.sem_alloc : memref<!tpu.dma_semaphore, #tpu.memory_space<semaphore_mem>>
      %dma_start3A_7 = tpu.memref_slice %arg3[%mul3A_2] : memref<9216xi32, #tpu.memory_space<hbm>> -> memref<288xi32, #tpu.memory_space<hbm>>
      %dma_start3A_8 = tpu.memref_slice %arg3[%mul3A_2] : memref<9216xi32, #tpu.memory_space<hbm>> -> memref<288xi32, #tpu.memory_space<hbm>>
      tpu.enqueue_dma source(%dma_start3A_8 : memref<288xi32, #tpu.memory_space<hbm>>) target(%arg5 : memref<288xi32, #tpu.memory_space<vmem>>) target_semaphore(%run_scoped3A : memref<!tpu.dma_semaphore, #tpu.memory_space<semaphore_mem>>)
      %dma_wait3A_9 = tpu.memref_slice %arg3[%mul3A_2] : memref<9216xi32, #tpu.memory_space<hbm>> -> memref<288xi32, #tpu.memory_space<hbm>>
      %dma_wait3A_10 = tpu.memref_slice %arg3[%mul3A_2] : memref<9216xi32, #tpu.memory_space<hbm>> -> memref<288xi32, #tpu.memory_space<hbm>>
      tpu.wait_dma2 semaphore(%run_scoped3A : memref<!tpu.dma_semaphore, #tpu.memory_space<semaphore_mem>>) src(%dma_wait3A_10 : memref<288xi32, #tpu.memory_space<hbm>>) dst(%arg5 : memref<288xi32, #tpu.memory_space<vmem>>)
      tpu.yield
    }) : () -> ()
    %dma_start3A = arith.constant 0 : i32
    %dma_start3A_3 = arith.constant 0 : i32
    %dma_start3A_4 = tpu.memref_slice %arg2[%dma_start3A, %dma_start3A_3] : memref<1024x128xf32, #tpu.memory_space<hbm>> -> memref<1024x128xf32, #tpu.memory_space<hbm>>
    tpu.enqueue_indirect_dma source(%dma_start3A_4 : memref<1024x128xf32, #tpu.memory_space<hbm>>) target(%arg6 : memref<288x128xf32, #tpu.memory_space<vmem>>) offsets(%arg5 : memref<288xi32, #tpu.memory_space<vmem>>) semaphore(%arg7 : memref<!tpu.dma_semaphore, #tpu.memory_space<semaphore_mem>>)
    %dma_wait3A = arith.constant 0 : i32
    %dma_wait3A_5 = arith.constant 0 : i32
    %dma_wait3A_6 = tpu.memref_slice %arg2[%dma_wait3A, %dma_wait3A_5] : memref<1024x128xf32, #tpu.memory_space<hbm>> -> memref<1024x128xf32, #tpu.memory_space<hbm>>
    tpu.wait_indirect_dma semaphore(%arg7 : memref<!tpu.dma_semaphore, #tpu.memory_space<semaphore_mem>>) src(%dma_wait3A_6 : memref<1024x128xf32, #tpu.memory_space<hbm>>) dst(%arg6 : memref<288x128xf32, #tpu.memory_space<vmem>>)
    "tpu.region"() ({
      %run_scoped3A = tpu.sem_alloc : memref<!tpu.dma_semaphore, #tpu.memory_space<semaphore_mem>>
      %dma_start3A_7 = arith.constant 0 : i32
      %dma_start3A_8 = tpu.memref_slice %arg4[%mul3A_2, %dma_start3A_7] : memref<9216x128xf32, #tpu.memory_space<hbm>> -> memref<288x128xf32, #tpu.memory_space<hbm>>
      %dma_start3A_9 = arith.constant 0 : i32
      %dma_start3A_10 = tpu.memref_slice %arg4[%mul3A_2, %dma_start3A_9] : memref<9216x128xf32, #tpu.memory_space<hbm>> -> memref<288x128xf32, #tpu.memory_space<hbm>>
      tpu.enqueue_dma source(%arg6 : memref<288x128xf32, #tpu.memory_space<vmem>>) target(%dma_start3A_10 : memref<288x128xf32, #tpu.memory_space<hbm>>) target_semaphore(%run_scoped3A : memref<!tpu.dma_semaphore, #tpu.memory_space<semaphore_mem>>)
      %dma_wait3A_11 = arith.constant 0 : i32
      %dma_wait3A_12 = tpu.memref_slice %arg4[%mul3A_2, %dma_wait3A_11] : memref<9216x128xf32, #tpu.memory_space<hbm>> -> memref<288x128xf32, #tpu.memory_space<hbm>>
      %dma_wait3A_13 = arith.constant 0 : i32
      %dma_wait3A_14 = tpu.memref_slice %arg4[%mul3A_2, %dma_wait3A_13] : memref<9216x128xf32, #tpu.memory_space<hbm>> -> memref<288x128xf32, #tpu.memory_space<hbm>>
      tpu.wait_dma2 semaphore(%run_scoped3A : memref<!tpu.dma_semaphore, #tpu.memory_space<semaphore_mem>>) src(%arg6 : memref<288x128xf32, #tpu.memory_space<vmem>>) dst(%dma_wait3A_14 : memref<288x128xf32, #tpu.memory_space<hbm>>)
      tpu.yield
    }) : () -> ()
    return
  }
}

module attributes {stable_mosaic.version = 14 : i64} {
  func.func @_dist_kernel(%arg0: i32, %arg1: memref<256x64xf32, #tpu.memory_space<vmem>>, %arg2: memref<1024x64xf32, #tpu.memory_space<vmem>>, %arg3: memref<256xi32, #tpu.memory_space<vmem>>, %arg4: memref<1024x1xf32, #tpu.memory_space<vmem>>) attributes {dimension_semantics = [#tpu.dimension_semantics<arbitrary>], iteration_bounds = array<i64: 36>, scalar_prefetch = 0 : i64, scratch_operands = 1 : i64, tpu.core_type = #tpu.core_type<tc>, window_params = [{transform_indices = @transform_0, window_bounds = array<i64: 256, 64>}, {pipeline_mode = #tpu.pipeline_mode<synchronous>, transform_indices = @transform_1, window_bounds = array<i64: 1024, 64>}, {transform_indices = @transform_2, window_bounds = array<i64: 256>}]} {
    %eq3A = arith.constant 0 : i32
    %eq3A_0 = arith.cmpi eq, %arg0, %eq3A : i32
    %convert_element_type3A = arith.extui %eq3A_0 : i1 to i32
    %cond3A = arith.constant 0 : i32
    %cond3A_1 = arith.cmpi ne, %convert_element_type3A, %cond3A : i32
    scf.if %cond3A_1 {
      %get3A_234 = arith.constant 0 : index
      %get3A_235 = arith.constant 0 : index
      %get3A_236 = vector.load %arg2[%get3A_234, %get3A_235] : memref<1024x64xf32, #tpu.memory_space<vmem>>, vector<1024x64xf32>
      %mul3A_237 = arith.mulf %get3A_236, %get3A_236 : vector<1024x64xf32>
      %broadcast_in_dim3A_238 = arith.constant 1.000000e+00 : f32
      %broadcast_in_dim3A_239 = vector.broadcast %broadcast_in_dim3A_238 : f32 to vector<1x64xf32>
      %dot_general3A_240 = arith.constant dense<0.000000e+00> : vector<1024x1xf32>
      %dot_general3A_241 = tpu.matmul %mul3A_237, %broadcast_in_dim3A_239, %dot_general3A_240 {dimension_numbers = #tpu.dot_dimension_numbers<[1], [1], [0], [0], [0, 0, 1, 0], [], []>, transpose_lhs_hint = false} : vector<1024x64xf32>, vector<1x64xf32>, vector<1024x1xf32> -> vector<1024x1xf32>
      %swap3A_242 = arith.constant 0 : index
      %swap3A_243 = arith.constant 0 : index
      %swap3A_244 = vector.load %arg4[%swap3A_242, %swap3A_243] : memref<1024x1xf32, #tpu.memory_space<vmem>>, vector<1024x1xf32>
      tpu.vector_store %arg4[%swap3A_242, %swap3A_243], %dot_general3A_241 {strides = array<i32>} : memref<1024x1xf32, #tpu.memory_space<vmem>>, vector<1024x1xf32>,
    } else {
    }
    %get3A = arith.constant 0 : index
    %get3A_2 = arith.constant 0 : index
    %get3A_3 = vector.load %arg1[%get3A, %get3A_2] : memref<256x64xf32, #tpu.memory_space<vmem>>, vector<256x64xf32>
    %iota3A = tpu.iota {dimensions = array<i32: 0>} : vector<128x256xi32>
    %convert_element_type3A_4 = arith.sitofp %iota3A : vector<128x256xi32> to vector<128x256xf32>
    %get3A_5 = arith.constant 0 : index
    %get3A_6 = arith.constant 0 : index
    %get3A_7 = vector.load %arg2[%get3A_5, %get3A_6] : memref<1024x64xf32, #tpu.memory_space<vmem>>, vector<128x64xf32>
    %dot_general3A = arith.constant dense<0.000000e+00> : vector<128x256xf32>
    %dot_general3A_8 = tpu.matmul %get3A_7, %get3A_3, %dot_general3A {dimension_numbers = #tpu.dot_dimension_numbers<[1], [1], [0], [0], [0, 0, 1, 0], [], []>, transpose_lhs_hint = false} : vector<128x64xf32>, vector<256x64xf32>, vector<128x256xf32> -> vector<128x256xf32>
    %get3A_9 = arith.constant 0 : index
    %get3A_10 = arith.constant 0 : index
    %get3A_11 = vector.load %arg4[%get3A_9, %get3A_10] : memref<1024x1xf32, #tpu.memory_space<vmem>>, vector<128x1xf32>
    %mul3A = arith.constant 2.000000e+00 : f32
    %mul3A_12 = vector.broadcast %mul3A : f32 to vector<128x256xf32>
    %mul3A_13 = arith.mulf %mul3A_12, %dot_general3A_8 : vector<128x256xf32>
    %sub3A = vector.broadcast %get3A_11 : vector<128x1xf32> to vector<128x256xf32>
    %sub3A_14 = arith.subf %sub3A, %mul3A_13 : vector<128x256xf32>
    %reduce_min3A = arith.constant dense<0x7F800000> : vector<256xf32>
    %reduce_min3A_15 = vector.multi_reduction <minimumf>, %sub3A_14, %reduce_min3A [0] : vector<128x256xf32> to vector<256xf32>
    %broadcast_in_dim3A = vector.shape_cast %reduce_min3A_15 : vector<256xf32> to vector<1x256xf32>
    %add3A = arith.constant 0.000000e+00 : f32
    %add3A_16 = vector.broadcast %add3A : f32 to vector<128x256xf32>
    %add3A_17 = arith.addf %convert_element_type3A_4, %add3A_16 : vector<128x256xf32>
    %eq3A_18 = vector.broadcast %broadcast_in_dim3A : vector<1x256xf32> to vector<128x256xf32>
    %eq3A_19 = arith.cmpf oeq, %sub3A_14, %eq3A_18 : vector<128x256xf32>
    %jit3A = arith.constant 1.07374182E+9 : f32
    %broadcast_in_dim3A_20 = vector.broadcast %jit3A : f32 to vector<128x256xf32>
    %select_n3A = arith.select %eq3A_19, %add3A_17, %broadcast_in_dim3A_20 : vector<128x256xi1>, vector<128x256xf32>
    %reduce_min3A_21 = arith.constant dense<0x7F800000> : vector<256xf32>
    %reduce_min3A_22 = vector.multi_reduction <minimumf>, %select_n3A, %reduce_min3A_21 [0] : vector<128x256xf32> to vector<256xf32>
    %broadcast_in_dim3A_23 = vector.shape_cast %reduce_min3A_22 : vector<256xf32> to vector<1x256xf32>
    %get3A_24 = arith.constant 128 : index
    %get3A_25 = arith.constant 0 : index
    %get3A_26 = vector.load %arg2[%get3A_24, %get3A_25] : memref<1024x64xf32, #tpu.memory_space<vmem>>, vector<128x64xf32>
    %dot_general3A_27 = arith.constant dense<0.000000e+00> : vector<128x256xf32>
    %dot_general3A_28 = tpu.matmul %get3A_26, %get3A_3, %dot_general3A_27 {dimension_numbers = #tpu.dot_dimension_numbers<[1], [1], [0], [0], [0, 0, 1, 0], [], []>, transpose_lhs_hint = false} : vector<128x64xf32>, vector<256x64xf32>, vector<128x256xf32> -> vector<128x256xf32>
    %get3A_29 = arith.constant 128 : index
    %get3A_30 = arith.constant 0 : index
    %get3A_31 = vector.load %arg4[%get3A_29, %get3A_30] : memref<1024x1xf32, #tpu.memory_space<vmem>>, vector<128x1xf32>
    %mul3A_32 = arith.constant 2.000000e+00 : f32
    %mul3A_33 = vector.broadcast %mul3A_32 : f32 to vector<128x256xf32>
    %mul3A_34 = arith.mulf %mul3A_33, %dot_general3A_28 : vector<128x256xf32>
    %sub3A_35 = vector.broadcast %get3A_31 : vector<128x1xf32> to vector<128x256xf32>
    %sub3A_36 = arith.subf %sub3A_35, %mul3A_34 : vector<128x256xf32>
    %reduce_min3A_37 = arith.constant dense<0x7F800000> : vector<256xf32>
    %reduce_min3A_38 = vector.multi_reduction <minimumf>, %sub3A_36, %reduce_min3A_37 [0] : vector<128x256xf32> to vector<256xf32>
    %broadcast_in_dim3A_39 = vector.shape_cast %reduce_min3A_38 : vector<256xf32> to vector<1x256xf32>
    %add3A_40 = arith.constant 1.280000e+02 : f32
    %add3A_41 = vector.broadcast %add3A_40 : f32 to vector<128x256xf32>
    %add3A_42 = arith.addf %convert_element_type3A_4, %add3A_41 : vector<128x256xf32>
    %eq3A_43 = vector.broadcast %broadcast_in_dim3A_39 : vector<1x256xf32> to vector<128x256xf32>
    %eq3A_44 = arith.cmpf oeq, %sub3A_36, %eq3A_43 : vector<128x256xf32>
    %jit3A_45 = arith.constant 1.07374182E+9 : f32
    %broadcast_in_dim3A_46 = vector.broadcast %jit3A_45 : f32 to vector<128x256xf32>
    %select_n3A_47 = arith.select %eq3A_44, %add3A_42, %broadcast_in_dim3A_46 : vector<128x256xi1>, vector<128x256xf32>
    %reduce_min3A_48 = arith.constant dense<0x7F800000> : vector<256xf32>
    %reduce_min3A_49 = vector.multi_reduction <minimumf>, %select_n3A_47, %reduce_min3A_48 [0] : vector<128x256xf32> to vector<256xf32>
    %broadcast_in_dim3A_50 = vector.shape_cast %reduce_min3A_49 : vector<256xf32> to vector<1x256xf32>
    %get3A_51 = arith.constant 256 : index
    %get3A_52 = arith.constant 0 : index
    %get3A_53 = vector.load %arg2[%get3A_51, %get3A_52] : memref<1024x64xf32, #tpu.memory_space<vmem>>, vector<128x64xf32>
    %dot_general3A_54 = arith.constant dense<0.000000e+00> : vector<128x256xf32>
    %dot_general3A_55 = tpu.matmul %get3A_53, %get3A_3, %dot_general3A_54 {dimension_numbers = #tpu.dot_dimension_numbers<[1], [1], [0], [0], [0, 0, 1, 0], [], []>, transpose_lhs_hint = false} : vector<128x64xf32>, vector<256x64xf32>, vector<128x256xf32> -> vector<128x256xf32>
    %get3A_56 = arith.constant 256 : index
    %get3A_57 = arith.constant 0 : index
    %get3A_58 = vector.load %arg4[%get3A_56, %get3A_57] : memref<1024x1xf32, #tpu.memory_space<vmem>>, vector<128x1xf32>
    %mul3A_59 = arith.constant 2.000000e+00 : f32
    %mul3A_60 = vector.broadcast %mul3A_59 : f32 to vector<128x256xf32>
    %mul3A_61 = arith.mulf %mul3A_60, %dot_general3A_55 : vector<128x256xf32>
    %sub3A_62 = vector.broadcast %get3A_58 : vector<128x1xf32> to vector<128x256xf32>
    %sub3A_63 = arith.subf %sub3A_62, %mul3A_61 : vector<128x256xf32>
    %reduce_min3A_64 = arith.constant dense<0x7F800000> : vector<256xf32>
    %reduce_min3A_65 = vector.multi_reduction <minimumf>, %sub3A_63, %reduce_min3A_64 [0] : vector<128x256xf32> to vector<256xf32>
    %broadcast_in_dim3A_66 = vector.shape_cast %reduce_min3A_65 : vector<256xf32> to vector<1x256xf32>
    %add3A_67 = arith.constant 2.560000e+02 : f32
    %add3A_68 = vector.broadcast %add3A_67 : f32 to vector<128x256xf32>
    %add3A_69 = arith.addf %convert_element_type3A_4, %add3A_68 : vector<128x256xf32>
    %eq3A_70 = vector.broadcast %broadcast_in_dim3A_66 : vector<1x256xf32> to vector<128x256xf32>
    %eq3A_71 = arith.cmpf oeq, %sub3A_63, %eq3A_70 : vector<128x256xf32>
    %jit3A_72 = arith.constant 1.07374182E+9 : f32
    %broadcast_in_dim3A_73 = vector.broadcast %jit3A_72 : f32 to vector<128x256xf32>
    %select_n3A_74 = arith.select %eq3A_71, %add3A_69, %broadcast_in_dim3A_73 : vector<128x256xi1>, vector<128x256xf32>
    %reduce_min3A_75 = arith.constant dense<0x7F800000> : vector<256xf32>
    %reduce_min3A_76 = vector.multi_reduction <minimumf>, %select_n3A_74, %reduce_min3A_75 [0] : vector<128x256xf32> to vector<256xf32>
    %broadcast_in_dim3A_77 = vector.shape_cast %reduce_min3A_76 : vector<256xf32> to vector<1x256xf32>
    %get3A_78 = arith.constant 384 : index
    %get3A_79 = arith.constant 0 : index
    %get3A_80 = vector.load %arg2[%get3A_78, %get3A_79] : memref<1024x64xf32, #tpu.memory_space<vmem>>, vector<128x64xf32>
    %dot_general3A_81 = arith.constant dense<0.000000e+00> : vector<128x256xf32>
    %dot_general3A_82 = tpu.matmul %get3A_80, %get3A_3, %dot_general3A_81 {dimension_numbers = #tpu.dot_dimension_numbers<[1], [1], [0], [0], [0, 0, 1, 0], [], []>, transpose_lhs_hint = false} : vector<128x64xf32>, vector<256x64xf32>, vector<128x256xf32> -> vector<128x256xf32>
    %get3A_83 = arith.constant 384 : index
    %get3A_84 = arith.constant 0 : index
    %get3A_85 = vector.load %arg4[%get3A_83, %get3A_84] : memref<1024x1xf32, #tpu.memory_space<vmem>>, vector<128x1xf32>
    %mul3A_86 = arith.constant 2.000000e+00 : f32
    %mul3A_87 = vector.broadcast %mul3A_86 : f32 to vector<128x256xf32>
    %mul3A_88 = arith.mulf %mul3A_87, %dot_general3A_82 : vector<128x256xf32>
    %sub3A_89 = vector.broadcast %get3A_85 : vector<128x1xf32> to vector<128x256xf32>
    %sub3A_90 = arith.subf %sub3A_89, %mul3A_88 : vector<128x256xf32>
    %reduce_min3A_91 = arith.constant dense<0x7F800000> : vector<256xf32>
    %reduce_min3A_92 = vector.multi_reduction <minimumf>, %sub3A_90, %reduce_min3A_91 [0] : vector<128x256xf32> to vector<256xf32>
    %broadcast_in_dim3A_93 = vector.shape_cast %reduce_min3A_92 : vector<256xf32> to vector<1x256xf32>
    %add3A_94 = arith.constant 3.840000e+02 : f32
    %add3A_95 = vector.broadcast %add3A_94 : f32 to vector<128x256xf32>
    %add3A_96 = arith.addf %convert_element_type3A_4, %add3A_95 : vector<128x256xf32>
    %eq3A_97 = vector.broadcast %broadcast_in_dim3A_93 : vector<1x256xf32> to vector<128x256xf32>
    %eq3A_98 = arith.cmpf oeq, %sub3A_90, %eq3A_97 : vector<128x256xf32>
    %jit3A_99 = arith.constant 1.07374182E+9 : f32
    %broadcast_in_dim3A_100 = vector.broadcast %jit3A_99 : f32 to vector<128x256xf32>
    %select_n3A_101 = arith.select %eq3A_98, %add3A_96, %broadcast_in_dim3A_100 : vector<128x256xi1>, vector<128x256xf32>
    %reduce_min3A_102 = arith.constant dense<0x7F800000> : vector<256xf32>
    %reduce_min3A_103 = vector.multi_reduction <minimumf>, %select_n3A_101, %reduce_min3A_102 [0] : vector<128x256xf32> to vector<256xf32>
    %broadcast_in_dim3A_104 = vector.shape_cast %reduce_min3A_103 : vector<256xf32> to vector<1x256xf32>
    %get3A_105 = arith.constant 512 : index
    %get3A_106 = arith.constant 0 : index
    %get3A_107 = vector.load %arg2[%get3A_105, %get3A_106] : memref<1024x64xf32, #tpu.memory_space<vmem>>, vector<128x64xf32>
    %dot_general3A_108 = arith.constant dense<0.000000e+00> : vector<128x256xf32>
    %dot_general3A_109 = tpu.matmul %get3A_107, %get3A_3, %dot_general3A_108 {dimension_numbers = #tpu.dot_dimension_numbers<[1], [1], [0], [0], [0, 0, 1, 0], [], []>, transpose_lhs_hint = false} : vector<128x64xf32>, vector<256x64xf32>, vector<128x256xf32> -> vector<128x256xf32>
    %get3A_110 = arith.constant 512 : index
    %get3A_111 = arith.constant 0 : index
    %get3A_112 = vector.load %arg4[%get3A_110, %get3A_111] : memref<1024x1xf32, #tpu.memory_space<vmem>>, vector<128x1xf32>
    %mul3A_113 = arith.constant 2.000000e+00 : f32
    %mul3A_114 = vector.broadcast %mul3A_113 : f32 to vector<128x256xf32>
    %mul3A_115 = arith.mulf %mul3A_114, %dot_general3A_109 : vector<128x256xf32>
    %sub3A_116 = vector.broadcast %get3A_112 : vector<128x1xf32> to vector<128x256xf32>
    %sub3A_117 = arith.subf %sub3A_116, %mul3A_115 : vector<128x256xf32>
    %reduce_min3A_118 = arith.constant dense<0x7F800000> : vector<256xf32>
    %reduce_min3A_119 = vector.multi_reduction <minimumf>, %sub3A_117, %reduce_min3A_118 [0] : vector<128x256xf32> to vector<256xf32>
    %broadcast_in_dim3A_120 = vector.shape_cast %reduce_min3A_119 : vector<256xf32> to vector<1x256xf32>
    %add3A_121 = arith.constant 5.120000e+02 : f32
    %add3A_122 = vector.broadcast %add3A_121 : f32 to vector<128x256xf32>
    %add3A_123 = arith.addf %convert_element_type3A_4, %add3A_122 : vector<128x256xf32>
    %eq3A_124 = vector.broadcast %broadcast_in_dim3A_120 : vector<1x256xf32> to vector<128x256xf32>
    %eq3A_125 = arith.cmpf oeq, %sub3A_117, %eq3A_124 : vector<128x256xf32>
    %jit3A_126 = arith.constant 1.07374182E+9 : f32
    %broadcast_in_dim3A_127 = vector.broadcast %jit3A_126 : f32 to vector<128x256xf32>
    %select_n3A_128 = arith.select %eq3A_125, %add3A_123, %broadcast_in_dim3A_127 : vector<128x256xi1>, vector<128x256xf32>
    %reduce_min3A_129 = arith.constant dense<0x7F800000> : vector<256xf32>
    %reduce_min3A_130 = vector.multi_reduction <minimumf>, %select_n3A_128, %reduce_min3A_129 [0] : vector<128x256xf32> to vector<256xf32>
    %broadcast_in_dim3A_131 = vector.shape_cast %reduce_min3A_130 : vector<256xf32> to vector<1x256xf32>
    %get3A_132 = arith.constant 640 : index
    %get3A_133 = arith.constant 0 : index
    %get3A_134 = vector.load %arg2[%get3A_132, %get3A_133] : memref<1024x64xf32, #tpu.memory_space<vmem>>, vector<128x64xf32>
    %dot_general3A_135 = arith.constant dense<0.000000e+00> : vector<128x256xf32>
    %dot_general3A_136 = tpu.matmul %get3A_134, %get3A_3, %dot_general3A_135 {dimension_numbers = #tpu.dot_dimension_numbers<[1], [1], [0], [0], [0, 0, 1, 0], [], []>, transpose_lhs_hint = false} : vector<128x64xf32>, vector<256x64xf32>, vector<128x256xf32> -> vector<128x256xf32>
    %get3A_137 = arith.constant 640 : index
    %get3A_138 = arith.constant 0 : index
    %get3A_139 = vector.load %arg4[%get3A_137, %get3A_138] : memref<1024x1xf32, #tpu.memory_space<vmem>>, vector<128x1xf32>
    %mul3A_140 = arith.constant 2.000000e+00 : f32
    %mul3A_141 = vector.broadcast %mul3A_140 : f32 to vector<128x256xf32>
    %mul3A_142 = arith.mulf %mul3A_141, %dot_general3A_136 : vector<128x256xf32>
    %sub3A_143 = vector.broadcast %get3A_139 : vector<128x1xf32> to vector<128x256xf32>
    %sub3A_144 = arith.subf %sub3A_143, %mul3A_142 : vector<128x256xf32>
    %reduce_min3A_145 = arith.constant dense<0x7F800000> : vector<256xf32>
    %reduce_min3A_146 = vector.multi_reduction <minimumf>, %sub3A_144, %reduce_min3A_145 [0] : vector<128x256xf32> to vector<256xf32>
    %broadcast_in_dim3A_147 = vector.shape_cast %reduce_min3A_146 : vector<256xf32> to vector<1x256xf32>
    %add3A_148 = arith.constant 6.400000e+02 : f32
    %add3A_149 = vector.broadcast %add3A_148 : f32 to vector<128x256xf32>
    %add3A_150 = arith.addf %convert_element_type3A_4, %add3A_149 : vector<128x256xf32>
    %eq3A_151 = vector.broadcast %broadcast_in_dim3A_147 : vector<1x256xf32> to vector<128x256xf32>
    %eq3A_152 = arith.cmpf oeq, %sub3A_144, %eq3A_151 : vector<128x256xf32>
    %jit3A_153 = arith.constant 1.07374182E+9 : f32
    %broadcast_in_dim3A_154 = vector.broadcast %jit3A_153 : f32 to vector<128x256xf32>
    %select_n3A_155 = arith.select %eq3A_152, %add3A_150, %broadcast_in_dim3A_154 : vector<128x256xi1>, vector<128x256xf32>
    %reduce_min3A_156 = arith.constant dense<0x7F800000> : vector<256xf32>
    %reduce_min3A_157 = vector.multi_reduction <minimumf>, %select_n3A_155, %reduce_min3A_156 [0] : vector<128x256xf32> to vector<256xf32>
    %broadcast_in_dim3A_158 = vector.shape_cast %reduce_min3A_157 : vector<256xf32> to vector<1x256xf32>
    %get3A_159 = arith.constant 768 : index
    %get3A_160 = arith.constant 0 : index
    %get3A_161 = vector.load %arg2[%get3A_159, %get3A_160] : memref<1024x64xf32, #tpu.memory_space<vmem>>, vector<128x64xf32>
    %dot_general3A_162 = arith.constant dense<0.000000e+00> : vector<128x256xf32>
    %dot_general3A_163 = tpu.matmul %get3A_161, %get3A_3, %dot_general3A_162 {dimension_numbers = #tpu.dot_dimension_numbers<[1], [1], [0], [0], [0, 0, 1, 0], [], []>, transpose_lhs_hint = false} : vector<128x64xf32>, vector<256x64xf32>, vector<128x256xf32> -> vector<128x256xf32>
    %get3A_164 = arith.constant 768 : index
    %get3A_165 = arith.constant 0 : index
    %get3A_166 = vector.load %arg4[%get3A_164, %get3A_165] : memref<1024x1xf32, #tpu.memory_space<vmem>>, vector<128x1xf32>
    %mul3A_167 = arith.constant 2.000000e+00 : f32
    %mul3A_168 = vector.broadcast %mul3A_167 : f32 to vector<128x256xf32>
    %mul3A_169 = arith.mulf %mul3A_168, %dot_general3A_163 : vector<128x256xf32>
    %sub3A_170 = vector.broadcast %get3A_166 : vector<128x1xf32> to vector<128x256xf32>
    %sub3A_171 = arith.subf %sub3A_170, %mul3A_169 : vector<128x256xf32>
    %reduce_min3A_172 = arith.constant dense<0x7F800000> : vector<256xf32>
    %reduce_min3A_173 = vector.multi_reduction <minimumf>, %sub3A_171, %reduce_min3A_172 [0] : vector<128x256xf32> to vector<256xf32>
    %broadcast_in_dim3A_174 = vector.shape_cast %reduce_min3A_173 : vector<256xf32> to vector<1x256xf32>
    %add3A_175 = arith.constant 7.680000e+02 : f32
    %add3A_176 = vector.broadcast %add3A_175 : f32 to vector<128x256xf32>
    %add3A_177 = arith.addf %convert_element_type3A_4, %add3A_176 : vector<128x256xf32>
    %eq3A_178 = vector.broadcast %broadcast_in_dim3A_174 : vector<1x256xf32> to vector<128x256xf32>
    %eq3A_179 = arith.cmpf oeq, %sub3A_171, %eq3A_178 : vector<128x256xf32>
    %jit3A_180 = arith.constant 1.07374182E+9 : f32
    %broadcast_in_dim3A_181 = vector.broadcast %jit3A_180 : f32 to vector<128x256xf32>
    %select_n3A_182 = arith.select %eq3A_179, %add3A_177, %broadcast_in_dim3A_181 : vector<128x256xi1>, vector<128x256xf32>
    %reduce_min3A_183 = arith.constant dense<0x7F800000> : vector<256xf32>
    %reduce_min3A_184 = vector.multi_reduction <minimumf>, %select_n3A_182, %reduce_min3A_183 [0] : vector<128x256xf32> to vector<256xf32>
    %broadcast_in_dim3A_185 = vector.shape_cast %reduce_min3A_184 : vector<256xf32> to vector<1x256xf32>
    %get3A_186 = arith.constant 896 : index
    %get3A_187 = arith.constant 0 : index
    %get3A_188 = vector.load %arg2[%get3A_186, %get3A_187] : memref<1024x64xf32, #tpu.memory_space<vmem>>, vector<128x64xf32>
    %dot_general3A_189 = arith.constant dense<0.000000e+00> : vector<128x256xf32>
    %dot_general3A_190 = tpu.matmul %get3A_188, %get3A_3, %dot_general3A_189 {dimension_numbers = #tpu.dot_dimension_numbers<[1], [1], [0], [0], [0, 0, 1, 0], [], []>, transpose_lhs_hint = false} : vector<128x64xf32>, vector<256x64xf32>, vector<128x256xf32> -> vector<128x256xf32>
    %get3A_191 = arith.constant 896 : index
    %get3A_192 = arith.constant 0 : index
    %get3A_193 = vector.load %arg4[%get3A_191, %get3A_192] : memref<1024x1xf32, #tpu.memory_space<vmem>>, vector<128x1xf32>
    %mul3A_194 = arith.constant 2.000000e+00 : f32
    %mul3A_195 = vector.broadcast %mul3A_194 : f32 to vector<128x256xf32>
    %mul3A_196 = arith.mulf %mul3A_195, %dot_general3A_190 : vector<128x256xf32>
    %sub3A_197 = vector.broadcast %get3A_193 : vector<128x1xf32> to vector<128x256xf32>
    %sub3A_198 = arith.subf %sub3A_197, %mul3A_196 : vector<128x256xf32>
    %reduce_min3A_199 = arith.constant dense<0x7F800000> : vector<256xf32>
    %reduce_min3A_200 = vector.multi_reduction <minimumf>, %sub3A_198, %reduce_min3A_199 [0] : vector<128x256xf32> to vector<256xf32>
    %broadcast_in_dim3A_201 = vector.shape_cast %reduce_min3A_200 : vector<256xf32> to vector<1x256xf32>
    %add3A_202 = arith.constant 8.960000e+02 : f32
    %add3A_203 = vector.broadcast %add3A_202 : f32 to vector<128x256xf32>
    %add3A_204 = arith.addf %convert_element_type3A_4, %add3A_203 : vector<128x256xf32>
    %eq3A_205 = vector.broadcast %broadcast_in_dim3A_201 : vector<1x256xf32> to vector<128x256xf32>
    %eq3A_206 = arith.cmpf oeq, %sub3A_198, %eq3A_205 : vector<128x256xf32>
    %jit3A_207 = arith.constant 1.07374182E+9 : f32
    %broadcast_in_dim3A_208 = vector.broadcast %jit3A_207 : f32 to vector<128x256xf32>
    %select_n3A_209 = arith.select %eq3A_206, %add3A_204, %broadcast_in_dim3A_208 : vector<128x256xi1>, vector<128x256xf32>
    %reduce_min3A_210 = arith.constant dense<0x7F800000> : vector<256xf32>
    %reduce_min3A_211 = vector.multi_reduction <minimumf>, %select_n3A_209, %reduce_min3A_210 [0] : vector<128x256xf32> to vector<256xf32>
    %broadcast_in_dim3A_212 = vector.shape_cast %reduce_min3A_211 : vector<256xf32> to vector<1x256xf32>
    %lt3A = arith.cmpf olt, %broadcast_in_dim3A_39, %broadcast_in_dim3A : vector<1x256xf32>
    %select_n3A_213 = arith.select %lt3A, %broadcast_in_dim3A_39, %broadcast_in_dim3A : vector<1x256xi1>, vector<1x256xf32>
    %select_n3A_214 = arith.select %lt3A, %broadcast_in_dim3A_50, %broadcast_in_dim3A_23 : vector<1x256xi1>, vector<1x256xf32>
    %lt3A_215 = arith.cmpf olt, %broadcast_in_dim3A_93, %broadcast_in_dim3A_66 : vector<1x256xf32>
    %select_n3A_216 = arith.select %lt3A_215, %broadcast_in_dim3A_93, %broadcast_in_dim3A_66 : vector<1x256xi1>, vector<1x256xf32>
    %select_n3A_217 = arith.select %lt3A_215, %broadcast_in_dim3A_104, %broadcast_in_dim3A_77 : vector<1x256xi1>, vector<1x256xf32>
    %lt3A_218 = arith.cmpf olt, %broadcast_in_dim3A_147, %broadcast_in_dim3A_120 : vector<1x256xf32>
    %select_n3A_219 = arith.select %lt3A_218, %broadcast_in_dim3A_147, %broadcast_in_dim3A_120 : vector<1x256xi1>, vector<1x256xf32>
    %select_n3A_220 = arith.select %lt3A_218, %broadcast_in_dim3A_158, %broadcast_in_dim3A_131 : vector<1x256xi1>, vector<1x256xf32>
    %lt3A_221 = arith.cmpf olt, %broadcast_in_dim3A_201, %broadcast_in_dim3A_174 : vector<1x256xf32>
    %select_n3A_222 = arith.select %lt3A_221, %broadcast_in_dim3A_201, %broadcast_in_dim3A_174 : vector<1x256xi1>, vector<1x256xf32>
    %select_n3A_223 = arith.select %lt3A_221, %broadcast_in_dim3A_212, %broadcast_in_dim3A_185 : vector<1x256xi1>, vector<1x256xf32>
    %lt3A_224 = arith.cmpf olt, %select_n3A_216, %select_n3A_213 : vector<1x256xf32>
    %select_n3A_225 = arith.select %lt3A_224, %select_n3A_216, %select_n3A_213 : vector<1x256xi1>, vector<1x256xf32>
    %select_n3A_226 = arith.select %lt3A_224, %select_n3A_217, %select_n3A_214 : vector<1x256xi1>, vector<1x256xf32>
    %lt3A_227 = arith.cmpf olt, %select_n3A_222, %select_n3A_219 : vector<1x256xf32>
    %select_n3A_228 = arith.select %lt3A_227, %select_n3A_222, %select_n3A_219 : vector<1x256xi1>, vector<1x256xf32>
    %select_n3A_229 = arith.select %lt3A_227, %select_n3A_223, %select_n3A_220 : vector<1x256xi1>, vector<1x256xf32>
    %lt3A_230 = arith.cmpf olt, %select_n3A_228, %select_n3A_225 : vector<1x256xf32>
    %select_n3A_231 = arith.select %lt3A_230, %select_n3A_229, %select_n3A_226 : vector<1x256xi1>, vector<1x256xf32>
    %reshape3A = vector.shape_cast %select_n3A_231 : vector<1x256xf32> to vector<256xf32>
    %convert_element_type3A_232 = arith.fptosi %reshape3A : vector<256xf32> to vector<256xi32>
    %swap3A = arith.constant 0 : index
    %swap3A_233 = vector.load %arg3[%swap3A] : memref<256xi32, #tpu.memory_space<vmem>>, vector<256xi32>
    tpu.vector_store %arg3[%swap3A], %convert_element_type3A_232 {strides = array<i32>} : memref<256xi32, #tpu.memory_space<vmem>>, vector<256xi32>,
    return
  }
  func.func @transform_0(%arg0: i32) -> (i32, i32) {
    %c0_i32 = arith.constant 0 : i32
    %c0_i32_0 = arith.constant 0 : i32
    return %arg0, %c0_i32 : i32, i32
  }
  func.func @transform_1(%arg0: i32) -> (i32, i32) {
    %c0_i32 = arith.constant 0 : i32
    %c0_i32_0 = arith.constant 0 : i32
    %c0_i32_1 = arith.constant 0 : i32
    return %c0_i32, %c0_i32_0 : i32, i32
  }
  func.func @transform_2(%arg0: i32) -> i32 {
    %c0_i32 = arith.constant 0 : i32
    return %arg0 : i32
  }
}

module attributes {stable_mosaic.version = 14 : i64} {
  func.func @_loss_kernel(%arg0: i32, %arg1: memref<1024x64xf32, #tpu.memory_space<vmem>>, %arg2: memref<1024x128xf32, #tpu.memory_space<vmem>>, %arg3: memref<1024x64xf32, #tpu.memory_space<vmem>>, %arg4: memref<1024x64xf32, #tpu.memory_space<vmem>>) attributes {dimension_semantics = [#tpu.dimension_semantics<arbitrary>], iteration_bounds = array<i64: 9>, scalar_prefetch = 0 : i64, scratch_operands = 0 : i64, tpu.core_type = #tpu.core_type<tc>, window_params = [{transform_indices = @transform_0, window_bounds = array<i64: 1024, 64>}, {transform_indices = @transform_1, window_bounds = array<i64: 1024, 128>}, {transform_indices = @transform_2, window_bounds = array<i64: 1024, 64>}, {transform_indices = @transform_3, window_bounds = array<i64: 1024, 64>}]} {
    %get3A = arith.constant 0 : index
    %get3A_0 = arith.constant 0 : index
    %get3A_1 = vector.load %arg1[%get3A, %get3A_0] : memref<1024x64xf32, #tpu.memory_space<vmem>>, vector<1024x64xf32>
    %get3A_2 = arith.constant 0 : index
    %get3A_3 = arith.constant 0 : index
    %get3A_4 = vector.load %arg2[%get3A_2, %get3A_3] : memref<1024x128xf32, #tpu.memory_space<vmem>>, vector<1024x64xf32>
    %sub3A = arith.subf %get3A_4, %get3A_1 : vector<1024x64xf32>
    %add3A = arith.addf %get3A_1, %sub3A : vector<1024x64xf32>
    %swap3A = arith.constant 0 : index
    %swap3A_5 = arith.constant 0 : index
    %swap3A_6 = vector.load %arg3[%swap3A, %swap3A_5] : memref<1024x64xf32, #tpu.memory_space<vmem>>, vector<1024x64xf32>
    tpu.vector_store %arg3[%swap3A, %swap3A_5], %add3A {strides = array<i32>} : memref<1024x64xf32, #tpu.memory_space<vmem>>, vector<1024x64xf32>,
    %square3A = arith.mulf %sub3A, %sub3A : vector<1024x64xf32>
    %mul3A = arith.constant 1.250000e+00 : f32
    %mul3A_7 = vector.broadcast %mul3A : f32 to vector<1024x64xf32>
    %mul3A_8 = arith.mulf %mul3A_7, %square3A : vector<1024x64xf32>
    %swap3A_9 = arith.constant 0 : index
    %swap3A_10 = arith.constant 0 : index
    %swap3A_11 = vector.load %arg4[%swap3A_9, %swap3A_10] : memref<1024x64xf32, #tpu.memory_space<vmem>>, vector<1024x64xf32>
    tpu.vector_store %arg4[%swap3A_9, %swap3A_10], %mul3A_8 {strides = array<i32>} : memref<1024x64xf32, #tpu.memory_space<vmem>>, vector<1024x64xf32>,
    return
  }
  func.func @transform_0(%arg0: i32) -> (i32, i32) {
    %c0_i32 = arith.constant 0 : i32
    %c0_i32_0 = arith.constant 0 : i32
    return %arg0, %c0_i32 : i32, i32
  }
  func.func @transform_1(%arg0: i32) -> (i32, i32) {
    %c0_i32 = arith.constant 0 : i32
    %c0_i32_0 = arith.constant 0 : i32
    return %arg0, %c0_i32 : i32, i32
  }
  func.func @transform_2(%arg0: i32) -> (i32, i32) {
    %c0_i32 = arith.constant 0 : i32
    %c0_i32_0 = arith.constant 0 : i32
    return %arg0, %c0_i32 : i32, i32
  }
  func.func @transform_3(%arg0: i32) -> (i32, i32) {
    %c0_i32 = arith.constant 0 : i32
    %c0_i32_0 = arith.constant 0 : i32
    return %arg0, %c0_i32 : i32, i32
  }
}

</mosaic_0001>

<sc_bundles>
// kernel: kernel.5.cloned.1.call-start
scs
__scs_entry_jumppad:
0x0: {  	(pc) =	sbr.rel $0x88, $3  }
0x1: {  	(tag) =	ssettag $0x0;
	lr =	simm.s32 $0x1  }
0x2: {  	[smem:$0x3F9E] =	sst lr;
	_ =	strace $0xD0000000  }
0x3: {  	_ = 	snop  }
0x4: {  	_ = 	snop  }
0x5: {  	_ = 	snop  }
0x6: {  	_ = 	snop  }
0x7: {  	_ = 	snop  }
__scs_overlays_trampoline_lowered:
0x8: {  	[smem:$0x3FAD] =	sst s0  }
0x9: {  	[smem:$0x3FAE] =	sst s1  }
0xa: {  	[smem:$0x3FAF] =	sst s2  }
0xb: {  	[smem:$0x3FB0] =	sst s3  }
0xc: {  	[smem:$0x3FB1] =	sst s4  }
0xd: {  	[smem:$0x3FB2] =	sst s5  }
0xe: {  	[smem:$0x3FB3] =	sst s6  }
0xf: {  	[smem:$0x3FB4] =	sst s7  }
0x10: {  	[smem:$0x3FB5] =	sst s8  }
0x11: {  	[smem:$0x3FB6] =	sst s9;
	s0 =	simm.s32 @!p0 $0x0  }
0x12: {  	s1 =	sld [smem:$0x3F9C];
	s0 =	simm.s32 @p0 $0x1  }
0x13: {  	[smem:$0x3FB7] =	sst s0;
	s0 =	simm.s32 @!p1 $0x0  }
0x14: {  	s2 =	sld [smem:$0x3F9B];
	s0 =	simm.s32 @p1 $0x1  }
0x15: {  	[smem:$0x3FB8] =	sst s0;
	s0 =	simm.s32 @!p2 $0x0  }
0x16: {  	s3 =	sld [smem:$0x3FDB];
	s0 =	simm.s32 @p2 $0x1  }
0x17: {  	s4 =	simm.s32 $0x1BF5;
	[smem:$0x3FBA] =	sst s0  }
0x18: {  	s0 =	sld [smem:$0x3F9D];
	_ =	swait.ge [sflag:s4], $0x0  }
0x19: {  	s7 =	sld [smem:$0x3F9E]  }
0x1a: {  	s8 =	sadd.s32 $0xFFFFE003, lr  }
0x1b: {  	s9 =	sadd.s32 $0xFFFFFEF7, lr;
	s5 =	simm.s32 $0xFFFFFFFF;
	p2 =	slt.u32 s8, $0xFFFFF086  }
0x1c: {  	p1 =	slt.u32 s9, $0xF7A;
	s5 =	simm.s32 @!p2 $0x0  }
0x1d: {  	s5 =	simm.s32 @p1 $0x1;
	p0 =	seq.s32 s7, s2  }
0x1e: {  	s7 =	smul.u32 @!p0 $0xF7A, s2;
	p2 =	seq.s32 @!p0 s5, $0x0  }
0x1f: {  	s9 =	smul.u32 $0xF7A, s1;
	s8 =	simm.s32 @!p0 $0x1BF5;
	p2 =	por !p2, p0  }
0x20: {  	[sflag:s8] =	ssyncset.s32 @!p0 $0xFFFFF086;
	s6 =	sadd.s32 @!p0 s3, s7;
	s7 =	simm.s32 @!p0 $0x108  }
0x21: {  	s3 =	sadd.s32 s3, s9;
	s6 =	sadd.s32 @!p0 $0x88, s6;
	s7 =	simm.s32 @p2 $0x1082  }
0x22: {  	[simem:s7], [sflag:s8] =	dma.local @!p0 [hbm:s6], $0xF7A  }
0x23: {  	s9 =	sor.u32 $0xD0000000, s2;
	s6 =	simm.s32 $0x108;
	_ =	swait.ge @!p0 [sflag:s8], $0x0  }
0x24: {  	s3 =	sadd.s32 $0x88, s3;
	s6 =	simm.s32 @!p1 $0x1082;
	[sflag:s4] =	ssyncset.s32 $0xFFFFF086  }
0x25: {  	[simem:s6], [sflag:s4] =	dma.local [hbm:s3], $0xF7A  }
0x26: {  	[smem:$0x3F9E] =	sst s1;
	(tag) =	ssettag s2;
	_ =	strace s9  }
0x27: {  	s1 =	sld [smem:$0x3FAE]  }
0x28: {  	s2 =	sld [smem:$0x3FAF]  }
0x29: {  	s4 =	sld [smem:$0x3FB1]  }
0x2a: {  	p0 =	seq.s32 s5, $0x0;
	s5 =	sld [smem:$0x3FB2]  }
0x2b: {  	s6 =	sld [smem:$0x3FB3]  }
0x2c: {  	s7 =	sld [smem:$0x3FB4]  }
0x2d: {  	s3 =	simm.s32 $0x108;
	s8 =	sld [smem:$0x3FB5]  }
0x2e: {  	s3 =	simm.s32 @!p0 $0x1082;
	s9 =	sld [smem:$0x3FB6]  }
0x2f: {  	lr =	sadd.s32 s0, s3;
	s0 =	sld [smem:$0x3FAD]  }
0x30: {  	s3 =	sld [smem:$0x3FB0]  }
0x31: {  	[smem:$0x3FB9] =	sst s10  }
0x32: {  	s10 =	sld [smem:$0x3FB7];
	_ =	sdelay $0x3  }
0x33: {  	p0 =	seq.s32 s10, $0x1;
	s10 =	sld [smem:$0x3FB9];
	_ =	sdelay $0x3  }
0x34: {  	[smem:$0x3FB9] =	sst s10  }
0x35: {  	s10 =	sld [smem:$0x3FB8];
	_ =	sdelay $0x3  }
0x36: {  	p1 =	seq.s32 s10, $0x1;
	s10 =	sld [smem:$0x3FB9];
	_ =	sdelay $0x3  }
0x37: {  	[smem:$0x3FB9] =	sst s10  }
0x38: {  	s10 =	sld [smem:$0x3FBA]  }
0x39: {  	_ = 	snop;
	(pc) =	sbr.ind lr, $3  }
0x3a: {  	_ = 	snop  }
0x3b: {  	_ = 	snop  }
0x3c: {  	p2 =	seq.s32 s10, $0x1;
	s10 =	sld [smem:$0x3FB9]  }
0x3d: {  	_ =	shalt  }
0x3e: {  	_ =	shalt  }
0x3f: {  	_ =	shalt  }
0x40: {  	_ =	shalt  }
0x41: {  	_ =	shalt  }
0x42: {  	_ =	shalt  }
0x43: {  	_ =	shalt  }
0x44: {  	_ =	shalt  }
0x45: {  	_ =	shalt  }
0x46: {  	_ =	shalt  }
0x47: {  	_ =	shalt  }
0x48: {  	_ =	shalt  }
0x49: {  	_ =	shalt  }
0x4a: {  	_ =	shalt  }
0x4b: {  	_ =	shalt  }
0x4c: {  	_ =	shalt  }
0x4d: {  	_ =	shalt  }
0x4e: {  	_ =	shalt  }
0x4f: {  	_ =	shalt  }
0x50: {  	_ =	shalt  }
0x51: {  	_ =	shalt  }
0x52: {  	_ =	shalt  }
0x53: {  	_ =	shalt  }
0x54: {  	_ =	shalt  }
0x55: {  	_ =	shalt  }
0x56: {  	_ =	shalt  }
0x57: {  	_ =	shalt  }
0x58: {  	_ =	shalt  }
0x59: {  	_ =	shalt  }
0x5a: {  	_ =	shalt  }
0x5b: {  	_ =	shalt  }
0x5c: {  	_ =	shalt  }
0x5d: {  	_ =	shalt  }
0x5e: {  	_ =	shalt  }
0x5f: {  	_ =	shalt  }
0x60: {  	_ =	shalt  }
0x61: {  	_ =	shalt  }
0x62: {  	_ =	shalt  }
0x63: {  	_ =	shalt  }
0x64: {  	_ =	shalt  }
0x65: {  	_ =	shalt  }
0x66: {  	_ =	shalt  }
0x67: {  	_ =	shalt  }
0x68: {  	_ =	shalt  }
0x69: {  	_ =	shalt  }
0x6a: {  	_ =	shalt  }
0x6b: {  	_ =	shalt  }
0x6c: {  	_ =	shalt  }
0x6d: {  	_ =	shalt  }
0x6e: {  	_ =	shalt  }
0x6f: {  	_ =	shalt  }
0x70: {  	_ =	shalt  }
0x71: {  	_ =	shalt  }
0x72: {  	_ =	shalt  }
0x73: {  	_ =	shalt  }
0x74: {  	_ =	shalt  }
0x75: {  	_ =	shalt  }
0x76: {  	_ =	shalt  }
0x77: {  	_ =	shalt  }
0x78: {  	_ =	shalt  }
0x79: {  	_ =	shalt  }
0x7a: {  	_ =	shalt  }
0x7b: {  	_ =	shalt  }
0x7c: {  	_ =	shalt  }
0x7d: {  	_ =	shalt  }
0x7e: {  	_ =	shalt  }
0x7f: {  	_ =	shalt  }
0x80: {  	_ =	shalt  }
0x81: {  	_ =	shalt  }
0x82: {  	_ =	shalt  }
0x83: {  	_ =	shalt  }
0x84: {  	_ =	shalt  }
0x85: {  	_ =	shalt  }
0x86: {  	_ =	shalt  }
0x87: {  	_ =	shalt  }
.Lfunc_end0:
.L_simem_size_0:
called_computation_lowered:
.L_overlay_start_0:
0x88: {  	s2 =	sld [smem:$0x3FD9]  }
0x89: {  	s3 =	sld [smem:$0x3FFE];
	_ =	sdelay $0x1  }
0x8a: {  	s1 =	srdreg.scid  }
0x8b: {  	s0 =	sand.u32 $0x1, s1  }
0x8c: {  	s14 =	sshll.u32 s0, $0xA;
	s2 =	sadd.s32 s3, s2  }
0x8d: {  	s2 =	sadd.s32 s2, s14  }
0x8e: {  	[smem:$0x3FC5] =	sst s2  }
0x8f: {  	_ = 	snop  }
0x90: {  	s2 =	sld [smem:$0x3FD0];
	_ =	sdelay $0x2  }
0x91: {  	s15 =	simm.s32 $0xA;
	s4 =	simm.s32 $0x10  }
0x92: {  	[smem:s4], [sflag:s15] =	dma.local [hbm:s2], $0x1  }
0x93: {  	_ =	swait.eq [sflag:s15], $0x1  }
0x94: {  	[sflag:s15] =	ssyncset.done $0x0  }
0x95: {  	s16 =	sld [smem:$0x11];
	[sflag:s15] =	ssyncadd.s32 $0xFFFFFFFF  }
0x96: {  	s17 =	sld [smem:$0x13];
	(tm) =	ssettm $0x1  }
0x97: {  	s18 =	sld [smem:$0x3FFB];
	_ =	sdelay $0x3  }
0x98: {  	_ =	strace s18  }
0x99: {  	s4 =	sld [smem:$0x3FFC];
	_ =	sdelay $0x3  }
0x9a: {  	_ =	strace s4  }
0x9b: {  	s4 =	sld [smem:$0x3FFD];
	_ =	sdelay $0x3  }
0x9c: {  	_ =	strace s4  }
0x9d: {  	_ =	strace $0x8FFFFFFF  }
0x9e: {  	s19 =	sld [smem:$0x3FDB];
	_ =	sdelay $0x1  }
0x9f: {  	s5 =	simm.s32 $_scs_section_size  }
0xa0: {  	s6 =	simm.s32 $_size__tile_overlayer_lowered;
	s7 =	simm.s32 $_tile_overlayer_lowered  }
0xa1: {  	s22 =	simm.s32 $0x1BFF;
	s21 =	sshll.u32 s7, $0x1;
	s4 =	sadd.s32 s5, s19  }
0xa2: {  	s8 =	simm.s32 $0x0;
	s20 =	sshll.u32 s6, $0x1;
	s6 =	sadd.s32 s21, s4  }
0xa3: {  	[timem:s8], [sflag:s22] =	dma.local [hbm:s6], s20  }
0xa4: {  	_ =	swait.ge [sflag:s22], s20  }
0xa5: {  	s5 =	ssub.s32 $0x0, s20;
	[sflag:s22] =	ssyncset.done $0x0  }
0xa6: {  	[sflag:s22] =	ssyncadd.s32 s5;
	_ =	sdelay $0x1  }
0xa7: {  	s23 =	simm.s32 $0x1B8B  }
0xa8: {  	_ =	swait.ge [sflag:s23], $0x1  }
0xa9: {  	[sflag:s23] =	ssyncset.done $0x0  }
0xaa: {  	s25 =	simm.s32 $0x1B8E;
	s24 =	sld [smem:$0x3FFE];
	[sflag:s23] =	ssyncadd.s32 $0xFFFFFFFF  }
0xab: {  	s26 =	simm.s32 $execute0_lowered;
	[smem:$0x3FD2] =	sst s25  }
0xac: {  	s6 =	sshll.u32 s26, $0x1;
	_ =	strace $0x80000046;
	[dreg:$0x1] =	wrdreg $0xFFFFFFFF  }
0xad: {  	s28 =	simm.s32 $_size_execute0_lowered;
	s4 =	sadd.s32 s4, s6;
	[dreg:$0x0] =	wrdreg $0x0  }
0xae: {  	s6 =	sshll.u32 s28, $0x1;
	[dreg:$0x2] =	wrdreg s4  }
0xaf: {  	[dreg:$0x3] =	wrdreg s6  }
0xb0: {  	[dreg:$0x4] =	wrdreg $0xC0  }
0xb1: {  	_ =	task [dreg:s8], $0x5FFFF  }
0xb2: {  	[dreg:$0x1] =	wrdreg $0xFFFFFFFF  }
0xb3: {  	[dreg:$0x0] =	wrdreg $0x60  }
0xb4: {  	[dreg:$0x2] =	wrdreg s16  }
0xb5: {  	[dreg:$0x3] =	wrdreg s17  }
0xb6: {  	[dreg:$0x4] =	wrdreg s24  }
0xb7: {  	[dreg:$0x5] =	wrdreg $0x9  }
0xb8: {  	_ =	task.clear_ibuf [dreg:s8], $0x6FFFF;
	_ =	strace $0x90000046  }
0xb9: {  	s29 =	simm.s32 $0x9;
	_ =	strace $0x80000048  }
0xba: {  	_ =	swait.ge [sflag:s29], $0x1  }
0xbb: {  	[sflag:s29] =	ssyncadd.s32 $0xFFFFFFFF  }
0xbc: {  	_ =	strace $0x90000048  }
0xbd: {  	_ =	sfence  }
0xbe: {  	s30 =	sld [smem:$0x0];
	_ =	sdelay $0x2  }
0xbf: {  	s31 =	sshll.u32 s1, $0xD;
	s1 =	sshrl.u32 s1, $0x2  }
0xc0: {  	s3 =	sand.u32 $0x4000, s31;
	s1 =	sadd.s32 s1, s30  }
0xc1: {  	s0 =	sor.u32 s3, s0;
	s1 =	sshll.u32 s1, $0x11  }
0xc2: {  	s0 =	sor.u32 s1, s0  }
0xc3: {  	s0 =	sadd.s32 $0x8F2B, s0  }
0xc4: {  	[sflag:s0] =	ssyncadd.remote.s32 $0x1  }
0xc5: {  	_ =	sfence.sel $0xFFFF  }
0xc6: {  	[dreg:$0x0] =	wrdreg $0xFFFFFFFF;
	(pc) =	sbr.abs _section_cstart, $3  }
0xc7: {  	[dreg:$0x1] =	wrdreg $0xFFFFFFFF  }
0xc8: {  	_ =	task.clear_ibuf [dreg:s8], $0x2FFFF;
	_ =	strace $0x9FFFFFFF  }
0xc9: {  	(tm) =	ssettm $0x7FFFFFFF  }
tec
execute0_lowered:
.L_overlay_start_1:
0x0: {  	(tag) =	ssettag $0x1  }
0x1: {  	s1 =	rddreg [dreg:$0x0]  }
0x2: {  	s2 =	srdreg.scid;
	s0 =	stileid.u32  }
0x3: {  	s4 =	rddreg [dreg:$0x1];
	s6 =	sand.u32 $0x1, s2;
	s30 =	sshll.u32 s0, $0x1  }
0x4: {  	s9 =	rddreg [dreg:$0x2];
	s3 =	simm.s32 $0x0;
	s7 =	sor.u32 s6, s30  }
0x5: {  	s8 =	simm.s32 $0x1;
	[smem:$0x7FF] =	sst s3;
	s5 =	smul.u32 $0x24, s7  }
0x6: {  	s2 =	rddreg [dreg:$0x3];
	_ =	strace $0x80000047;
	s11 =	ssub.s32 $0x2, s6  }
0x7: {  	s6 =	simm.s32 $0x120;
	s5 =	sadd.s32 s4, s5;
	s4 =	simm.s32 $0x2  }
0x8: {  	[tilespmem:s3], [sflag:$0x2] =	stream.linear.gather [hbm4b:s5+s3], $0x120, $0x38;
	[tilespmem:$0x9180] =	vst v63  }
0x9: {  	s10 =	smul.u32 $0x1200, s7;
	s12 =	sshrl.u32 s11, $0x1;
	_ =	swait.ge [sflag:s4], $0x120  }
0xa: {  	s7 =	simm.s32 $0x180;
	s31 =	ssub.s32 s11, s12;
	[sflag:s4] =	ssyncset.done $0x0  }
0xb: {  	s9 =	sadd.s32 s10, s9;
	s10 =	smax.u32 s31, $0x1;
	[sflag:s4] =	ssyncadd.s32 $0xFFFFFEE0  }
0xc: {  	[tilespmem:s7], [sflag:$0x1] =	stream.indirect.gather [hbm4b:s1+s6], $0x80, s3, s6, $0xb8;
	[tilespmem:$0x9180] =	vst v63  }
0xd: {  	p0 =	sne.s32 s10, $0x1;
	_ =	swait.ge [sflag:s8], $0x9000  }
.Ltmp0:
0xe: {  	[sflag:s8] =	ssyncset.done $0x0;
	(pc) =	sbr.rel @!p0 .LBB2_2-.Ltmp0, $4  }
0xf: {  	s9 =	sadd.s32 $0x1000, s9;
	[sflag:s8] =	ssyncadd.s32 $0xFFFF7000  }
0x10: {  	[hbm4b:s9+s3] =	stream.linear.scatter [tilespmem:s7], [sflag:$0x2], $0x9000, $0x38;
	[tilespmem:$0x9180] =	vst v63  }
0x11: {  	_ =	swait.ge [sflag:s4], $0x9000  }
0x12: {  	s10 =	sadd.s32 $0xFFFFFFFF, s10;
	[sflag:s4] =	ssyncset.done $0x0  }
.LBB2_1:
0x13: {  	p0 =	sne.s32 s10, $0x1;
	s10 =	sadd.s32 $0xFFFFFFFF, s10;
	[sflag:s4] =	ssyncadd.s32 $0xFFFF7000  }
0x14: {  	[tilespmem:s3], [sflag:$0x2] =	stream.linear.gather [hbm4b:s5+s3], $0x120, $0x38;
	[tilespmem:$0x9180] =	vst v63  }
0x15: {  	_ =	swait.ge [sflag:s4], $0x120  }
0x16: {  	[sflag:s4] =	ssyncset.done $0x0  }
0x17: {  	[sflag:s4] =	ssyncadd.s32 $0xFFFFFEE0  }
0x18: {  	[tilespmem:s7], [sflag:$0x1] =	stream.indirect.gather [hbm4b:s1+s6], $0x80, s3, s6, $0xb8;
	[tilespmem:$0x9180] =	vst v63  }
0x19: {  	_ =	swait.ge [sflag:s8], $0x9000  }
.Ltmp1:
0x1a: {  	[sflag:s8] =	ssyncset.done $0x0;
	(pc) =	sbr.rel @p0 .LBB2_1-.Ltmp1, $4  }
0x1b: {  	[sflag:s8] =	ssyncadd.s32 $0xFFFF7000  }
0x1c: {  	[hbm4b:s9+s3] =	stream.linear.scatter [tilespmem:s7], [sflag:$0x2], $0x9000, $0x38;
	[tilespmem:$0x9180] =	vst v63  }
0x1d: {  	_ =	swait.ge [sflag:s4], $0x9000  }
0x1e: {  	[sflag:s4] =	ssyncset.done $0x0  }
.LBB2_2:
0x1f: {  	[sflag:s4] =	ssyncadd.s32 $0xFFFF7000  }
0x20: {  	_ =	sfence.sel $0x180000  }
0x21: {  	[bflag:$0x0] =	sbarrier.arrive $0xFFFF  }
0x22: {  	p0 =	sne.s32 s0, $0x0;
	_ =	strace $0x90000047  }
0x23: {  	s0 =	sadd.s32 @!p0 $0x100000, s2;
	[bflag:$0x2] =	sbarrier.arrive $0xFFFF  }
0x24: {  	[sflag:s0] =	ssyncadd.tile.s32 @!p0 $0x1;
	_ =	shalt  }
.Lfunc_end2:
_tile_overlayer_lowered:
.L_overlay_start_2:
0x25: {  	(tag) =	ssettag $0x2  }
0x26: {  	s0 =	rddreg [dreg:$0x0];
	s2 =	stileid.u32  }
0x27: {  	s1 =	rddreg [dreg:$0x1];
	p0 =	sne.s32 s2, $0x0  }
0x28: {  	s3 =	rddreg [dreg:$0x2];
	[bflag:$0x3] =	sbarrier.arrive $0xFFFF;
	s2 =	simm.s32 @!p0 $0x1C02  }
0x29: {  	[timem:s3], [sflag:s2] =	dma.local @!p0 [hbm:s0], s1  }
0x2a: {  	s0 =	simm.s32 @!p0 $0x2  }
0x2b: {  	_ =	swait.ge @!p0 [sflag:s0], s1  }
0x2c: {  	s1 =	ssub.s32 @!p0 $0x0, s1;
	[sflag:s0] =	ssyncset.done @!p0 $0x0  }
0x2d: {  	[sflag:s0] =	ssyncadd.s32 @!p0 s1  }
0x2e: {  	[bflag:$0x3] =	sbarrier.arrive $0xFFFF  }
0x2f: {  	_ =	shalt  }

</sc_bundles>
